<compile_context>
chip_gen: v7x
topology: tpu7x:2x2x1
jax: 0.10.2.dev20260603
libtpu: 0.0.44.dev20260713+nightly
codegen_flags: <defaults>
</compile_context>

<pallas_src>
import jax
import jax.numpy as jnp
from jax import lax
from jax.experimental import pallas as pl
from jax.experimental.pallas import tpu as pltpu
from jax.experimental.pallas import tpu_sc as plsc

NUM_YEARS = 1000
LATENT_DIM = 64
BATCH = 16384

NC = 2
NS = 16
NW = NC * NS
B_PER_W = BATCH // NW


def _gather_kernel(idx_hbm, emb_hbm, out_hbm, idx_v, rows_v, table_sp, sem_g, sem_o):
    sid = lax.axis_index("s")
    wid = sid * NC + lax.axis_index("c")
    base = wid * B_PER_W

    rows_per_tile = NUM_YEARS // NS
    rem = NUM_YEARS - rows_per_tile * NS
    stage = pltpu.async_copy(
        emb_hbm.at[pl.ds(sid * rows_per_tile, rows_per_tile)],
        table_sp.at[pl.ds(sid * rows_per_tile, rows_per_tile)],
        sem_g,
    )
    @pl.when(sid == 0)
    def _stage_tail():
        pltpu.sync_copy(
            emb_hbm.at[pl.ds(NS * rows_per_tile, rem)],
            table_sp.at[pl.ds(NS * rows_per_tile, rem)],
        )

    pltpu.sync_copy(idx_hbm.at[pl.ds(base, B_PER_W)], idx_v)
    stage.wait()
    plsc.subcore_barrier()
    nchunk = 4
    step = B_PER_W // nchunk
    gathers = [
        pltpu.async_copy(
            table_sp.at[idx_v.at[pl.ds(c * step, step)]],
            rows_v.at[pl.ds(c * step, step)],
            sem_g,
        )
        for c in range(nchunk)
    ]
    writes = []
    for c in range(nchunk):
        gathers[c].wait()
        writes.append(
            pltpu.async_copy(
                rows_v.at[pl.ds(c * step, step)],
                out_hbm.at[pl.ds(base + c * step, step)],
                sem_o,
            )
        )
    for w in writes:
        w.wait()


@jax.jit
def kernel(session_year, emb):
    mesh = plsc.VectorSubcoreMesh(core_axis_name="c", subcore_axis_name="s")
    return pl.kernel(
        _gather_kernel,
        out_type=jax.ShapeDtypeStruct((BATCH, LATENT_DIM), jnp.float32),
        mesh=mesh,
        scratch_types=[
            pltpu.VMEM((B_PER_W,), jnp.int32),
            pltpu.VMEM((B_PER_W, LATENT_DIM), jnp.float32),
            pltpu.VMEM_SHARED((NUM_YEARS, LATENT_DIM), jnp.float32),
            pltpu.SemaphoreType.DMA,
            pltpu.SemaphoreType.DMA,
        ],
        compiler_params=pltpu.CompilerParams(use_tc_tiling_on_sc=False),
    )(session_year, emb)

# --- scband reference (transcript-rebuilt; emitter-appended) ---
"""Pipeline reference for scband-year-trend-preprocessor-56805237457223 (READ-ONLY COPY).

The authoritative reference and input builder live on the scoring server;
editing this copy changes nothing except your own understanding.
"""

import jax, jax.numpy as jnp
import numpy as np

NUM_YEARS = 1000
LATENT_DIM = 64
BATCH = 16384


def setup_inputs(seed: int = 0) -> dict:
    key = jax.random.key(seed)
    k_idx, k_emb = jax.random.split(key)
    session_year = jax.random.randint(k_idx, (BATCH,), 0, NUM_YEARS, dtype=jnp.int32)
    # nn.Embedding default init: N(0, 1)
    emb = jax.random.normal(k_emb, (NUM_YEARS, LATENT_DIM), dtype=jnp.float32)
    return {"session_year": session_year, "emb": emb}


def reference(session_year, emb):
    # batch.session_year_emb = self.emb(batch.session_year)
    session_year_emb = jnp.take(emb, session_year, axis=0)
    return session_year_emb

if __name__ == "__main__":
    import jax
    _d = setup_inputs()
    print(jax.jit(kernel)(*tuple(_d.values())))

</pallas_src>

<mosaic_0001>
#map = affine_map<(d0, d1) -> (0)>
#map1 = affine_map<(d0, d1) -> (0, 0)>
module attributes {stable_mosaic.version = 14 : i64} {
  func.func @_gather_kernel(%arg0: i32, %arg1: i32, %arg2: memref<16384xi32, #tpu.memory_space<hbm>>, %arg3: memref<1000x64xf32, #tpu.memory_space<hbm>>, %arg4: memref<16384x64xf32, #tpu.memory_space<hbm>>, %arg5: memref<512xi32, #tpu.memory_space<vmem>>, %arg6: memref<512x64xf32, #tpu.memory_space<vmem>>, %arg7: memref<1000x64xf32, #tpu.memory_space<vmem_shared>>, %arg8: memref<!tpu.dma_semaphore, #tpu.memory_space<semaphore_mem>>, %arg9: memref<!tpu.dma_semaphore, #tpu.memory_space<semaphore_mem>>) attributes {dimension_semantics = [#tpu.dimension_semantics<core_parallel>, #tpu.dimension_semantics<subcore_parallel>], iteration_bounds = array<i64: 2, 16>, scalar_prefetch = 0 : i64, scratch_operands = 5 : i64, tpu.core_type = #tpu.core_type<sc_vector_subcore>, window_params = [{transform_indices = #map}, {transform_indices = #map1}, {transform_indices = #map1}]} {
    %mul3A = arith.constant 2 : i32
    %mul3A_0 = arith.muli %arg1, %mul3A : i32
    %add3A = arith.addi %mul3A_0, %arg0 : i32
    %mul3A_1 = arith.constant 512 : i32
    %mul3A_2 = arith.muli %add3A, %mul3A_1 : i32
    %mul3A_3 = arith.constant 62 : i32
    %mul3A_4 = arith.muli %arg1, %mul3A_3 : i32
    %mul3A_5 = arith.constant 62 : i32
    %mul3A_6 = arith.muli %arg1, %mul3A_5 : i32
    %dma_start3A = arith.constant 0 : i32
    %dma_start3A_7 = tpu.memref_slice %arg7[%mul3A_6, %dma_start3A] : memref<1000x64xf32, #tpu.memory_space<vmem_shared>> -> memref<62x64xf32, #tpu.memory_space<vmem_shared>>
    %dma_start3A_8 = arith.constant 0 : i32
    %dma_start3A_9 = tpu.memref_slice %arg3[%mul3A_4, %dma_start3A_8] : memref<1000x64xf32, #tpu.memory_space<hbm>> -> memref<62x64xf32, #tpu.memory_space<hbm>>
    tpu.enqueue_dma source(%dma_start3A_9 : memref<62x64xf32, #tpu.memory_space<hbm>>) target(%dma_start3A_7 : memref<62x64xf32, #tpu.memory_space<vmem_shared>>) target_semaphore(%arg8 : memref<!tpu.dma_semaphore, #tpu.memory_space<semaphore_mem>>)
    %eq3A = arith.constant 0 : i32
    %eq3A_10 = arith.cmpi eq, %arg1, %eq3A : i32
    %convert_element_type3A = arith.extui %eq3A_10 : i1 to i32
    %cond3A = arith.constant 0 : i32
    %cond3A_11 = arith.cmpi ne, %convert_element_type3A, %cond3A : i32
    scf.if %cond3A_11 {
      "tpu.region"() ({
        %run_scoped3A = tpu.sem_alloc : memref<!tpu.dma_semaphore, #tpu.memory_space<semaphore_mem>>
        %dma_start3A_167 = arith.constant 992 : i32
        %dma_start3A_168 = arith.constant 0 : i32
        %dma_start3A_169 = tpu.memref_slice %arg7[%dma_start3A_167, %dma_start3A_168] : memref<1000x64xf32, #tpu.memory_space<vmem_shared>> -> memref<8x64xf32, #tpu.memory_space<vmem_shared>>
        %dma_start3A_170 = arith.constant 992 : i32
        %dma_start3A_171 = arith.constant 0 : i32
        %dma_start3A_172 = tpu.memref_slice %arg3[%dma_start3A_170, %dma_start3A_171] : memref<1000x64xf32, #tpu.memory_space<hbm>> -> memref<8x64xf32, #tpu.memory_space<hbm>>
        tpu.enqueue_dma source(%dma_start3A_172 : memref<8x64xf32, #tpu.memory_space<hbm>>) target(%dma_start3A_169 : memref<8x64xf32, #tpu.memory_space<vmem_shared>>) target_semaphore(%run_scoped3A : memref<!tpu.dma_semaphore, #tpu.memory_space<semaphore_mem>>)
        %dma_wait3A_173 = arith.constant 992 : i32
        %dma_wait3A_174 = arith.constant 0 : i32
        %dma_wait3A_175 = tpu.memref_slice %arg7[%dma_wait3A_173, %dma_wait3A_174] : memref<1000x64xf32, #tpu.memory_space<vmem_shared>> -> memref<8x64xf32, #tpu.memory_space<vmem_shared>>
        %dma_wait3A_176 = arith.constant 992 : i32
        %dma_wait3A_177 = arith.constant 0 : i32
        %dma_wait3A_178 = tpu.memref_slice %arg3[%dma_wait3A_176, %dma_wait3A_177] : memref<1000x64xf32, #tpu.memory_space<hbm>> -> memref<8x64xf32, #tpu.memory_space<hbm>>
        tpu.wait_dma2 semaphore(%run_scoped3A : memref<!tpu.dma_semaphore, #tpu.memory_space<semaphore_mem>>) src(%dma_wait3A_178 : memref<8x64xf32, #tpu.memory_space<hbm>>) dst(%dma_wait3A_175 : memref<8x64xf32, #tpu.memory_space<vmem_shared>>)
        tpu.yield
      }) : () -> ()
    } else {
    }
    "tpu.region"() ({
      %run_scoped3A = tpu.sem_alloc : memref<!tpu.dma_semaphore, #tpu.memory_space<semaphore_mem>>
      %dma_start3A_167 = tpu.memref_slice %arg2[%mul3A_2] : memref<16384xi32, #tpu.memory_space<hbm>> -> memref<512xi32, #tpu.memory_space<hbm>>
      %dma_start3A_168 = tpu.memref_slice %arg2[%mul3A_2] : memref<16384xi32, #tpu.memory_space<hbm>> -> memref<512xi32, #tpu.memory_space<hbm>>
      tpu.enqueue_dma source(%dma_start3A_168 : memref<512xi32, #tpu.memory_space<hbm>>) target(%arg5 : memref<512xi32, #tpu.memory_space<vmem>>) target_semaphore(%run_scoped3A : memref<!tpu.dma_semaphore, #tpu.memory_space<semaphore_mem>>)
      %dma_wait3A_169 = tpu.memref_slice %arg2[%mul3A_2] : memref<16384xi32, #tpu.memory_space<hbm>> -> memref<512xi32, #tpu.memory_space<hbm>>
      %dma_wait3A_170 = tpu.memref_slice %arg2[%mul3A_2] : memref<16384xi32, #tpu.memory_space<hbm>> -> memref<512xi32, #tpu.memory_space<hbm>>
      tpu.wait_dma2 semaphore(%run_scoped3A : memref<!tpu.dma_semaphore, #tpu.memory_space<semaphore_mem>>) src(%dma_wait3A_170 : memref<512xi32, #tpu.memory_space<hbm>>) dst(%arg5 : memref<512xi32, #tpu.memory_space<vmem>>)
      tpu.yield
    }) : () -> ()
    %dma_wait3A = arith.constant 0 : i32
    %dma_wait3A_12 = tpu.memref_slice %arg7[%mul3A_6, %dma_wait3A] : memref<1000x64xf32, #tpu.memory_space<vmem_shared>> -> memref<62x64xf32, #tpu.memory_space<vmem_shared>>
    %dma_wait3A_13 = arith.constant 0 : i32
    %dma_wait3A_14 = tpu.memref_slice %arg3[%mul3A_4, %dma_wait3A_13] : memref<1000x64xf32, #tpu.memory_space<hbm>> -> memref<62x64xf32, #tpu.memory_space<hbm>>
    tpu.wait_dma2 semaphore(%arg8 : memref<!tpu.dma_semaphore, #tpu.memory_space<semaphore_mem>>) src(%dma_wait3A_14 : memref<62x64xf32, #tpu.memory_space<hbm>>) dst(%dma_wait3A_12 : memref<62x64xf32, #tpu.memory_space<vmem_shared>>)
    %barrier3A = arith.constant 0 : index
    tpu.barrier barrier_id(%barrier3A)
    %dma_start3A_15 = arith.constant 0 : i32
    %dma_start3A_16 = arith.constant 0 : i32
    %dma_start3A_17 = tpu.memref_slice %arg6[%dma_start3A_15, %dma_start3A_16] : memref<512x64xf32, #tpu.memory_space<vmem>> -> memref<128x64xf32, #tpu.memory_space<vmem>>
    %dma_start3A_18 = arith.constant 0 : i32
    %dma_start3A_19 = tpu.memref_slice %arg5[%dma_start3A_18] : memref<512xi32, #tpu.memory_space<vmem>> -> memref<128xi32, #tpu.memory_space<vmem>>
    %dma_start3A_20 = arith.constant 0 : i32
    %dma_start3A_21 = arith.constant 0 : i32
    %dma_start3A_22 = tpu.memref_slice %arg7[%dma_start3A_20, %dma_start3A_21] : memref<1000x64xf32, #tpu.memory_space<vmem_shared>> -> memref<1000x64xf32, #tpu.memory_space<vmem_shared>>
    tpu.enqueue_indirect_dma source(%dma_start3A_22 : memref<1000x64xf32, #tpu.memory_space<vmem_shared>>) target(%dma_start3A_17 : memref<128x64xf32, #tpu.memory_space<vmem>>) offsets(%dma_start3A_19 : memref<128xi32, #tpu.memory_space<vmem>>) semaphore(%arg8 : memref<!tpu.dma_semaphore, #tpu.memory_space<semaphore_mem>>)
    %dma_start3A_23 = arith.constant 128 : i32
    %dma_start3A_24 = arith.constant 0 : i32
    %dma_start3A_25 = tpu.memref_slice %arg6[%dma_start3A_23, %dma_start3A_24] : memref<512x64xf32, #tpu.memory_space<vmem>> -> memref<128x64xf32, #tpu.memory_space<vmem>>
    %dma_start3A_26 = arith.constant 128 : i32
    %dma_start3A_27 = tpu.memref_slice %arg5[%dma_start3A_26] : memref<512xi32, #tpu.memory_space<vmem>> -> memref<128xi32, #tpu.memory_space<vmem>>
    %dma_start3A_28 = arith.constant 0 : i32
    %dma_start3A_29 = arith.constant 0 : i32
    %dma_start3A_30 = tpu.memref_slice %arg7[%dma_start3A_28, %dma_start3A_29] : memref<1000x64xf32, #tpu.memory_space<vmem_shared>> -> memref<1000x64xf32, #tpu.memory_space<vmem_shared>>
    tpu.enqueue_indirect_dma source(%dma_start3A_30 : memref<1000x64xf32, #tpu.memory_space<vmem_shared>>) target(%dma_start3A_25 : memref<128x64xf32, #tpu.memory_space<vmem>>) offsets(%dma_start3A_27 : memref<128xi32, #tpu.memory_space<vmem>>) semaphore(%arg8 : memref<!tpu.dma_semaphore, #tpu.memory_space<semaphore_mem>>)
    %dma_start3A_31 = arith.constant 256 : i32
    %dma_start3A_32 = arith.constant 0 : i32
    %dma_start3A_33 = tpu.memref_slice %arg6[%dma_start3A_31, %dma_start3A_32] : memref<512x64xf32, #tpu.memory_space<vmem>> -> memref<128x64xf32, #tpu.memory_space<vmem>>
    %dma_start3A_34 = arith.constant 256 : i32
    %dma_start3A_35 = tpu.memref_slice %arg5[%dma_start3A_34] : memref<512xi32, #tpu.memory_space<vmem>> -> memref<128xi32, #tpu.memory_space<vmem>>
    %dma_start3A_36 = arith.constant 0 : i32
    %dma_start3A_37 = arith.constant 0 : i32
    %dma_start3A_38 = tpu.memref_slice %arg7[%dma_start3A_36, %dma_start3A_37] : memref<1000x64xf32, #tpu.memory_space<vmem_shared>> -> memref<1000x64xf32, #tpu.memory_space<vmem_shared>>
    tpu.enqueue_indirect_dma source(%dma_start3A_38 : memref<1000x64xf32, #tpu.memory_space<vmem_shared>>) target(%dma_start3A_33 : memref<128x64xf32, #tpu.memory_space<vmem>>) offsets(%dma_start3A_35 : memref<128xi32, #tpu.memory_space<vmem>>) semaphore(%arg8 : memref<!tpu.dma_semaphore, #tpu.memory_space<semaphore_mem>>)
    %dma_start3A_39 = arith.constant 384 : i32
    %dma_start3A_40 = arith.constant 0 : i32
    %dma_start3A_41 = tpu.memref_slice %arg6[%dma_start3A_39, %dma_start3A_40] : memref<512x64xf32, #tpu.memory_space<vmem>> -> memref<128x64xf32, #tpu.memory_space<vmem>>
    %dma_start3A_42 = arith.constant 384 : i32
    %dma_start3A_43 = tpu.memref_slice %arg5[%dma_start3A_42] : memref<512xi32, #tpu.memory_space<vmem>> -> memref<128xi32, #tpu.memory_space<vmem>>
    %dma_start3A_44 = arith.constant 0 : i32
    %dma_start3A_45 = arith.constant 0 : i32
    %dma_start3A_46 = tpu.memref_slice %arg7[%dma_start3A_44, %dma_start3A_45] : memref<1000x64xf32, #tpu.memory_space<vmem_shared>> -> memref<1000x64xf32, #tpu.memory_space<vmem_shared>>
    tpu.enqueue_indirect_dma source(%dma_start3A_46 : memref<1000x64xf32, #tpu.memory_space<vmem_shared>>) target(%dma_start3A_41 : memref<128x64xf32, #tpu.memory_space<vmem>>) offsets(%dma_start3A_43 : memref<128xi32, #tpu.memory_space<vmem>>) semaphore(%arg8 : memref<!tpu.dma_semaphore, #tpu.memory_space<semaphore_mem>>)
    %dma_wait3A_47 = arith.constant 0 : i32
    %dma_wait3A_48 = arith.constant 0 : i32
    %dma_wait3A_49 = tpu.memref_slice %arg6[%dma_wait3A_47, %dma_wait3A_48] : memref<512x64xf32, #tpu.memory_space<vmem>> -> memref<128x64xf32, #tpu.memory_space<vmem>>
    %dma_wait3A_50 = arith.constant 0 : i32
    %dma_wait3A_51 = tpu.memref_slice %arg5[%dma_wait3A_50] : memref<512xi32, #tpu.memory_space<vmem>> -> memref<128xi32, #tpu.memory_space<vmem>>
    %dma_wait3A_52 = arith.constant 0 : i32
    %dma_wait3A_53 = arith.constant 0 : i32
    %dma_wait3A_54 = tpu.memref_slice %arg7[%dma_wait3A_52, %dma_wait3A_53] : memref<1000x64xf32, #tpu.memory_space<vmem_shared>> -> memref<1000x64xf32, #tpu.memory_space<vmem_shared>>
    tpu.wait_indirect_dma semaphore(%arg8 : memref<!tpu.dma_semaphore, #tpu.memory_space<semaphore_mem>>) src(%dma_wait3A_54 : memref<1000x64xf32, #tpu.memory_space<vmem_shared>>) dst(%dma_wait3A_49 : memref<128x64xf32, #tpu.memory_space<vmem>>)
    %add3A_55 = arith.constant 0 : i32
    %add3A_56 = arith.addi %mul3A_2, %add3A_55 : i32
    %dma_start3A_57 = arith.constant 0 : i32
    %dma_start3A_58 = arith.constant 0 : i32
    %dma_start3A_59 = tpu.memref_slice %arg6[%dma_start3A_57, %dma_start3A_58] : memref<512x64xf32, #tpu.memory_space<vmem>> -> memref<128x64xf32, #tpu.memory_space<vmem>>
    %dma_start3A_60 = arith.constant 0 : i32
    %dma_start3A_61 = tpu.memref_slice %arg4[%add3A_56, %dma_start3A_60] : memref<16384x64xf32, #tpu.memory_space<hbm>> -> memref<128x64xf32, #tpu.memory_space<hbm>>
    %dma_start3A_62 = arith.constant 0 : i32
    %dma_start3A_63 = tpu.memref_slice %arg4[%add3A_56, %dma_start3A_62] : memref<16384x64xf32, #tpu.memory_space<hbm>> -> memref<128x64xf32, #tpu.memory_space<hbm>>
    %dma_start3A_64 = arith.constant 0 : i32
    %dma_start3A_65 = arith.constant 0 : i32
    %dma_start3A_66 = tpu.memref_slice %arg6[%dma_start3A_64, %dma_start3A_65] : memref<512x64xf32, #tpu.memory_space<vmem>> -> memref<128x64xf32, #tpu.memory_space<vmem>>
    tpu.enqueue_dma source(%dma_start3A_66 : memref<128x64xf32, #tpu.memory_space<vmem>>) target(%dma_start3A_63 : memref<128x64xf32, #tpu.memory_space<hbm>>) target_semaphore(%arg9 : memref<!tpu.dma_semaphore, #tpu.memory_space<semaphore_mem>>)
    %dma_wait3A_67 = arith.constant 128 : i32
    %dma_wait3A_68 = arith.constant 0 : i32
    %dma_wait3A_69 = tpu.memref_slice %arg6[%dma_wait3A_67, %dma_wait3A_68] : memref<512x64xf32, #tpu.memory_space<vmem>> -> memref<128x64xf32, #tpu.memory_space<vmem>>
    %dma_wait3A_70 = arith.constant 128 : i32
    %dma_wait3A_71 = tpu.memref_slice %arg5[%dma_wait3A_70] : memref<512xi32, #tpu.memory_space<vmem>> -> memref<128xi32, #tpu.memory_space<vmem>>
    %dma_wait3A_72 = arith.constant 0 : i32
    %dma_wait3A_73 = arith.constant 0 : i32
    %dma_wait3A_74 = tpu.memref_slice %arg7[%dma_wait3A_72, %dma_wait3A_73] : memref<1000x64xf32, #tpu.memory_space<vmem_shared>> -> memref<1000x64xf32, #tpu.memory_space<vmem_shared>>
    tpu.wait_indirect_dma semaphore(%arg8 : memref<!tpu.dma_semaphore, #tpu.memory_space<semaphore_mem>>) src(%dma_wait3A_74 : memref<1000x64xf32, #tpu.memory_space<vmem_shared>>) dst(%dma_wait3A_69 : memref<128x64xf32, #tpu.memory_space<vmem>>)
    %add3A_75 = arith.constant 128 : i32
    %add3A_76 = arith.addi %mul3A_2, %add3A_75 : i32
    %dma_start3A_77 = arith.constant 128 : i32
    %dma_start3A_78 = arith.constant 0 : i32
    %dma_start3A_79 = tpu.memref_slice %arg6[%dma_start3A_77, %dma_start3A_78] : memref<512x64xf32, #tpu.memory_space<vmem>> -> memref<128x64xf32, #tpu.memory_space<vmem>>
    %dma_start3A_80 = arith.constant 0 : i32
    %dma_start3A_81 = tpu.memref_slice %arg4[%add3A_76, %dma_start3A_80] : memref<16384x64xf32, #tpu.memory_space<hbm>> -> memref<128x64xf32, #tpu.memory_space<hbm>>
    %dma_start3A_82 = arith.constant 0 : i32
    %dma_start3A_83 = tpu.memref_slice %arg4[%add3A_76, %dma_start3A_82] : memref<16384x64xf32, #tpu.memory_space<hbm>> -> memref<128x64xf32, #tpu.memory_space<hbm>>
    %dma_start3A_84 = arith.constant 128 : i32
    %dma_start3A_85 = arith.constant 0 : i32
    %dma_start3A_86 = tpu.memref_slice %arg6[%dma_start3A_84, %dma_start3A_85] : memref<512x64xf32, #tpu.memory_space<vmem>> -> memref<128x64xf32, #tpu.memory_space<vmem>>
    tpu.enqueue_dma source(%dma_start3A_86 : memref<128x64xf32, #tpu.memory_space<vmem>>) target(%dma_start3A_83 : memref<128x64xf32, #tpu.memory_space<hbm>>) target_semaphore(%arg9 : memref<!tpu.dma_semaphore, #tpu.memory_space<semaphore_mem>>)
    %dma_wait3A_87 = arith.constant 256 : i32
    %dma_wait3A_88 = arith.constant 0 : i32
    %dma_wait3A_89 = tpu.memref_slice %arg6[%dma_wait3A_87, %dma_wait3A_88] : memref<512x64xf32, #tpu.memory_space<vmem>> -> memref<128x64xf32, #tpu.memory_space<vmem>>
    %dma_wait3A_90 = arith.constant 256 : i32
    %dma_wait3A_91 = tpu.memref_slice %arg5[%dma_wait3A_90] : memref<512xi32, #tpu.memory_space<vmem>> -> memref<128xi32, #tpu.memory_space<vmem>>
    %dma_wait3A_92 = arith.constant 0 : i32
    %dma_wait3A_93 = arith.constant 0 : i32
    %dma_wait3A_94 = tpu.memref_slice %arg7[%dma_wait3A_92, %dma_wait3A_93] : memref<1000x64xf32, #tpu.memory_space<vmem_shared>> -> memref<1000x64xf32, #tpu.memory_space<vmem_shared>>
    tpu.wait_indirect_dma semaphore(%arg8 : memref<!tpu.dma_semaphore, #tpu.memory_space<semaphore_mem>>) src(%dma_wait3A_94 : memref<1000x64xf32, #tpu.memory_space<vmem_shared>>) dst(%dma_wait3A_89 : memref<128x64xf32, #tpu.memory_space<vmem>>)
    %add3A_95 = arith.constant 256 : i32
    %add3A_96 = arith.addi %mul3A_2, %add3A_95 : i32
    %dma_start3A_97 = arith.constant 256 : i32
    %dma_start3A_98 = arith.constant 0 : i32
    %dma_start3A_99 = tpu.memref_slice %arg6[%dma_start3A_97, %dma_start3A_98] : memref<512x64xf32, #tpu.memory_space<vmem>> -> memref<128x64xf32, #tpu.memory_space<vmem>>
    %dma_start3A_100 = arith.constant 0 : i32
    %dma_start3A_101 = tpu.memref_slice %arg4[%add3A_96, %dma_start3A_100] : memref<16384x64xf32, #tpu.memory_space<hbm>> -> memref<128x64xf32, #tpu.memory_space<hbm>>
    %dma_start3A_102 = arith.constant 0 : i32
    %dma_start3A_103 = tpu.memref_slice %arg4[%add3A_96, %dma_start3A_102] : memref<16384x64xf32, #tpu.memory_space<hbm>> -> memref<128x64xf32, #tpu.memory_space<hbm>>
    %dma_start3A_104 = arith.constant 256 : i32
    %dma_start3A_105 = arith.constant 0 : i32
    %dma_start3A_106 = tpu.memref_slice %arg6[%dma_start3A_104, %dma_start3A_105] : memref<512x64xf32, #tpu.memory_space<vmem>> -> memref<128x64xf32, #tpu.memory_space<vmem>>
    tpu.enqueue_dma source(%dma_start3A_106 : memref<128x64xf32, #tpu.memory_space<vmem>>) target(%dma_start3A_103 : memref<128x64xf32, #tpu.memory_space<hbm>>) target_semaphore(%arg9 : memref<!tpu.dma_semaphore, #tpu.memory_space<semaphore_mem>>)
    %dma_wait3A_107 = arith.constant 384 : i32
    %dma_wait3A_108 = arith.constant 0 : i32
    %dma_wait3A_109 = tpu.memref_slice %arg6[%dma_wait3A_107, %dma_wait3A_108] : memref<512x64xf32, #tpu.memory_space<vmem>> -> memref<128x64xf32, #tpu.memory_space<vmem>>
    %dma_wait3A_110 = arith.constant 384 : i32
    %dma_wait3A_111 = tpu.memref_slice %arg5[%dma_wait3A_110] : memref<512xi32, #tpu.memory_space<vmem>> -> memref<128xi32, #tpu.memory_space<vmem>>
    %dma_wait3A_112 = arith.constant 0 : i32
    %dma_wait3A_113 = arith.constant 0 : i32
    %dma_wait3A_114 = tpu.memref_slice %arg7[%dma_wait3A_112, %dma_wait3A_113] : memref<1000x64xf32, #tpu.memory_space<vmem_shared>> -> memref<1000x64xf32, #tpu.memory_space<vmem_shared>>
    tpu.wait_indirect_dma semaphore(%arg8 : memref<!tpu.dma_semaphore, #tpu.memory_space<semaphore_mem>>) src(%dma_wait3A_114 : memref<1000x64xf32, #tpu.memory_space<vmem_shared>>) dst(%dma_wait3A_109 : memref<128x64xf32, #tpu.memory_space<vmem>>)
    %add3A_115 = arith.constant 384 : i32
    %add3A_116 = arith.addi %mul3A_2, %add3A_115 : i32
    %dma_start3A_117 = arith.constant 384 : i32
    %dma_start3A_118 = arith.constant 0 : i32
    %dma_start3A_119 = tpu.memref_slice %arg6[%dma_start3A_117, %dma_start3A_118] : memref<512x64xf32, #tpu.memory_space<vmem>> -> memref<128x64xf32, #tpu.memory_space<vmem>>
    %dma_start3A_120 = arith.constant 0 : i32
    %dma_start3A_121 = tpu.memref_slice %arg4[%add3A_116, %dma_start3A_120] : memref<16384x64xf32, #tpu.memory_space<hbm>> -> memref<128x64xf32, #tpu.memory_space<hbm>>
    %dma_start3A_122 = arith.constant 0 : i32
    %dma_start3A_123 = tpu.memref_slice %arg4[%add3A_116, %dma_start3A_122] : memref<16384x64xf32, #tpu.memory_space<hbm>> -> memref<128x64xf32, #tpu.memory_space<hbm>>
    %dma_start3A_124 = arith.constant 384 : i32
    %dma_start3A_125 = arith.constant 0 : i32
    %dma_start3A_126 = tpu.memref_slice %arg6[%dma_start3A_124, %dma_start3A_125] : memref<512x64xf32, #tpu.memory_space<vmem>> -> memref<128x64xf32, #tpu.memory_space<vmem>>
    tpu.enqueue_dma source(%dma_start3A_126 : memref<128x64xf32, #tpu.memory_space<vmem>>) target(%dma_start3A_123 : memref<128x64xf32, #tpu.memory_space<hbm>>) target_semaphore(%arg9 : memref<!tpu.dma_semaphore, #tpu.memory_space<semaphore_mem>>)
    %dma_wait3A_127 = arith.constant 0 : i32
    %dma_wait3A_128 = arith.constant 0 : i32
    %dma_wait3A_129 = tpu.memref_slice %arg6[%dma_wait3A_127, %dma_wait3A_128] : memref<512x64xf32, #tpu.memory_space<vmem>> -> memref<128x64xf32, #tpu.memory_space<vmem>>
    %dma_wait3A_130 = arith.constant 0 : i32
    %dma_wait3A_131 = tpu.memref_slice %arg4[%add3A_56, %dma_wait3A_130] : memref<16384x64xf32, #tpu.memory_space<hbm>> -> memref<128x64xf32, #tpu.memory_space<hbm>>
    %dma_wait3A_132 = arith.constant 0 : i32
    %dma_wait3A_133 = tpu.memref_slice %arg4[%add3A_56, %dma_wait3A_132] : memref<16384x64xf32, #tpu.memory_space<hbm>> -> memref<128x64xf32, #tpu.memory_space<hbm>>
    %dma_wait3A_134 = arith.constant 0 : i32
    %dma_wait3A_135 = arith.constant 0 : i32
    %dma_wait3A_136 = tpu.memref_slice %arg6[%dma_wait3A_134, %dma_wait3A_135] : memref<512x64xf32, #tpu.memory_space<vmem>> -> memref<128x64xf32, #tpu.memory_space<vmem>>
    tpu.wait_dma2 semaphore(%arg9 : memref<!tpu.dma_semaphore, #tpu.memory_space<semaphore_mem>>) src(%dma_wait3A_136 : memref<128x64xf32, #tpu.memory_space<vmem>>) dst(%dma_wait3A_133 : memref<128x64xf32, #tpu.memory_space<hbm>>)
    %dma_wait3A_137 = arith.constant 128 : i32
    %dma_wait3A_138 = arith.constant 0 : i32
    %dma_wait3A_139 = tpu.memref_slice %arg6[%dma_wait3A_137, %dma_wait3A_138] : memref<512x64xf32, #tpu.memory_space<vmem>> -> memref<128x64xf32, #tpu.memory_space<vmem>>
    %dma_wait3A_140 = arith.constant 0 : i32
    %dma_wait3A_141 = tpu.memref_slice %arg4[%add3A_76, %dma_wait3A_140] : memref<16384x64xf32, #tpu.memory_space<hbm>> -> memref<128x64xf32, #tpu.memory_space<hbm>>
    %dma_wait3A_142 = arith.constant 0 : i32
    %dma_wait3A_143 = tpu.memref_slice %arg4[%add3A_76, %dma_wait3A_142] : memref<16384x64xf32, #tpu.memory_space<hbm>> -> memref<128x64xf32, #tpu.memory_space<hbm>>
    %dma_wait3A_144 = arith.constant 128 : i32
    %dma_wait3A_145 = arith.constant 0 : i32
    %dma_wait3A_146 = tpu.memref_slice %arg6[%dma_wait3A_144, %dma_wait3A_145] : memref<512x64xf32, #tpu.memory_space<vmem>> -> memref<128x64xf32, #tpu.memory_space<vmem>>
    tpu.wait_dma2 semaphore(%arg9 : memref<!tpu.dma_semaphore, #tpu.memory_space<semaphore_mem>>) src(%dma_wait3A_146 : memref<128x64xf32, #tpu.memory_space<vmem>>) dst(%dma_wait3A_143 : memref<128x64xf32, #tpu.memory_space<hbm>>)
    %dma_wait3A_147 = arith.constant 256 : i32
    %dma_wait3A_148 = arith.constant 0 : i32
    %dma_wait3A_149 = tpu.memref_slice %arg6[%dma_wait3A_147, %dma_wait3A_148] : memref<512x64xf32, #tpu.memory_space<vmem>> -> memref<128x64xf32, #tpu.memory_space<vmem>>
    %dma_wait3A_150 = arith.constant 0 : i32
    %dma_wait3A_151 = tpu.memref_slice %arg4[%add3A_96, %dma_wait3A_150] : memref<16384x64xf32, #tpu.memory_space<hbm>> -> memref<128x64xf32, #tpu.memory_space<hbm>>
    %dma_wait3A_152 = arith.constant 0 : i32
    %dma_wait3A_153 = tpu.memref_slice %arg4[%add3A_96, %dma_wait3A_152] : memref<16384x64xf32, #tpu.memory_space<hbm>> -> memref<128x64xf32, #tpu.memory_space<hbm>>
    %dma_wait3A_154 = arith.constant 256 : i32
    %dma_wait3A_155 = arith.constant 0 : i32
    %dma_wait3A_156 = tpu.memref_slice %arg6[%dma_wait3A_154, %dma_wait3A_155] : memref<512x64xf32, #tpu.memory_space<vmem>> -> memref<128x64xf32, #tpu.memory_space<vmem>>
    tpu.wait_dma2 semaphore(%arg9 : memref<!tpu.dma_semaphore, #tpu.memory_space<semaphore_mem>>) src(%dma_wait3A_156 : memref<128x64xf32, #tpu.memory_space<vmem>>) dst(%dma_wait3A_153 : memref<128x64xf32, #tpu.memory_space<hbm>>)
    %dma_wait3A_157 = arith.constant 384 : i32
    %dma_wait3A_158 = arith.constant 0 : i32
    %dma_wait3A_159 = tpu.memref_slice %arg6[%dma_wait3A_157, %dma_wait3A_158] : memref<512x64xf32, #tpu.memory_space<vmem>> -> memref<128x64xf32, #tpu.memory_space<vmem>>
    %dma_wait3A_160 = arith.constant 0 : i32
    %dma_wait3A_161 = tpu.memref_slice %arg4[%add3A_116, %dma_wait3A_160] : memref<16384x64xf32, #tpu.memory_space<hbm>> -> memref<128x64xf32, #tpu.memory_space<hbm>>
    %dma_wait3A_162 = arith.constant 0 : i32
    %dma_wait3A_163 = tpu.memref_slice %arg4[%add3A_116, %dma_wait3A_162] : memref<16384x64xf32, #tpu.memory_space<hbm>> -> memref<128x64xf32, #tpu.memory_space<hbm>>
    %dma_wait3A_164 = arith.constant 384 : i32
    %dma_wait3A_165 = arith.constant 0 : i32
    %dma_wait3A_166 = tpu.memref_slice %arg6[%dma_wait3A_164, %dma_wait3A_165] : memref<512x64xf32, #tpu.memory_space<vmem>> -> memref<128x64xf32, #tpu.memory_space<vmem>>
    tpu.wait_dma2 semaphore(%arg9 : memref<!tpu.dma_semaphore, #tpu.memory_space<semaphore_mem>>) src(%dma_wait3A_166 : memref<128x64xf32, #tpu.memory_space<vmem>>) dst(%dma_wait3A_163 : memref<128x64xf32, #tpu.memory_space<hbm>>)
    return
  }
}

</mosaic_0001>

<sc_bundles>
// kernel: kernel.3.cloned.1.call-start
scs
__scs_entry_jumppad:
0x0: {  	(pc) =	sbr.rel $0x88, $3  }
0x1: {  	(tag) =	ssettag $0x0;
	lr =	simm.s32 $0x1  }
0x2: {  	[smem:$0x3F9F] =	sst lr;
	_ =	strace $0xD0000000  }
0x3: {  	_ = 	snop  }
0x4: {  	_ = 	snop  }
0x5: {  	_ = 	snop  }
0x6: {  	_ = 	snop  }
0x7: {  	_ = 	snop  }
__scs_overlays_trampoline_lowered:
0x8: {  	[smem:$0x3FAE] =	sst s0  }
0x9: {  	[smem:$0x3FAF] =	sst s1  }
0xa: {  	[smem:$0x3FB0] =	sst s2  }
0xb: {  	[smem:$0x3FB1] =	sst s3  }
0xc: {  	[smem:$0x3FB2] =	sst s4  }
0xd: {  	[smem:$0x3FB3] =	sst s5  }
0xe: {  	[smem:$0x3FB4] =	sst s6  }
0xf: {  	[smem:$0x3FB5] =	sst s7  }
0x10: {  	[smem:$0x3FB6] =	sst s8  }
0x11: {  	[smem:$0x3FB7] =	sst s9;
	s0 =	simm.s32 @!p0 $0x0  }
0x12: {  	s1 =	sld [smem:$0x3F9D];
	s0 =	simm.s32 @p0 $0x1  }
0x13: {  	[smem:$0x3FB8] =	sst s0;
	s0 =	simm.s32 @!p1 $0x0  }
0x14: {  	s2 =	sld [smem:$0x3F9C];
	s0 =	simm.s32 @p1 $0x1  }
0x15: {  	[smem:$0x3FB9] =	sst s0;
	s0 =	simm.s32 @!p2 $0x0  }
0x16: {  	s3 =	sld [smem:$0x3FDB];
	s0 =	simm.s32 @p2 $0x1  }
0x17: {  	s4 =	simm.s32 $0x1BF5;
	[smem:$0x3FBB] =	sst s0  }
0x18: {  	s0 =	sld [smem:$0x3F9E];
	_ =	swait.ge [sflag:s4], $0x0  }
0x19: {  	s7 =	sld [smem:$0x3F9F]  }
0x1a: {  	s8 =	sadd.s32 $0xFFFFE003, lr  }
0x1b: {  	s9 =	sadd.s32 $0xFFFFFEF7, lr;
	s5 =	simm.s32 $0xFFFFFFFF;
	p2 =	slt.u32 s8, $0xFFFFF086  }
0x1c: {  	p1 =	slt.u32 s9, $0xF7A;
	s5 =	simm.s32 @!p2 $0x0  }
0x1d: {  	s5 =	simm.s32 @p1 $0x1;
	p0 =	seq.s32 s7, s2  }
0x1e: {  	s7 =	smul.u32 @!p0 $0xF7A, s2;
	p2 =	seq.s32 @!p0 s5, $0x0  }
0x1f: {  	s9 =	smul.u32 $0xF7A, s1;
	s8 =	simm.s32 @!p0 $0x1BF5;
	p2 =	por !p2, p0  }
0x20: {  	[sflag:s8] =	ssyncset.s32 @!p0 $0xFFFFF086;
	s6 =	sadd.s32 @!p0 s3, s7;
	s7 =	simm.s32 @!p0 $0x108  }
0x21: {  	s3 =	sadd.s32 s3, s9;
	s6 =	sadd.s32 @!p0 $0x88, s6;
	s7 =	simm.s32 @p2 $0x1082  }
0x22: {  	[simem:s7], [sflag:s8] =	dma.local @!p0 [hbm:s6], $0xF7A  }
0x23: {  	s9 =	sor.u32 $0xD0000000, s2;
	s6 =	simm.s32 $0x108;
	_ =	swait.ge @!p0 [sflag:s8], $0x0  }
0x24: {  	s3 =	sadd.s32 $0x88, s3;
	s6 =	simm.s32 @!p1 $0x1082;
	[sflag:s4] =	ssyncset.s32 $0xFFFFF086  }
0x25: {  	[simem:s6], [sflag:s4] =	dma.local [hbm:s3], $0xF7A  }
0x26: {  	[smem:$0x3F9F] =	sst s1;
	(tag) =	ssettag s2;
	_ =	strace s9  }
0x27: {  	s1 =	sld [smem:$0x3FAF]  }
0x28: {  	s2 =	sld [smem:$0x3FB0]  }
0x29: {  	s4 =	sld [smem:$0x3FB2]  }
0x2a: {  	p0 =	seq.s32 s5, $0x0;
	s5 =	sld [smem:$0x3FB3]  }
0x2b: {  	s6 =	sld [smem:$0x3FB4]  }
0x2c: {  	s7 =	sld [smem:$0x3FB5]  }
0x2d: {  	s3 =	simm.s32 $0x108;
	s8 =	sld [smem:$0x3FB6]  }
0x2e: {  	s3 =	simm.s32 @!p0 $0x1082;
	s9 =	sld [smem:$0x3FB7]  }
0x2f: {  	lr =	sadd.s32 s0, s3;
	s0 =	sld [smem:$0x3FAE]  }
0x30: {  	s3 =	sld [smem:$0x3FB1]  }
0x31: {  	[smem:$0x3FBA] =	sst s10  }
0x32: {  	s10 =	sld [smem:$0x3FB8];
	_ =	sdelay $0x3  }
0x33: {  	p0 =	seq.s32 s10, $0x1;
	s10 =	sld [smem:$0x3FBA];
	_ =	sdelay $0x3  }
0x34: {  	[smem:$0x3FBA] =	sst s10  }
0x35: {  	s10 =	sld [smem:$0x3FB9];
	_ =	sdelay $0x3  }
0x36: {  	p1 =	seq.s32 s10, $0x1;
	s10 =	sld [smem:$0x3FBA];
	_ =	sdelay $0x3  }
0x37: {  	[smem:$0x3FBA] =	sst s10  }
0x38: {  	s10 =	sld [smem:$0x3FBB]  }
0x39: {  	_ = 	snop;
	(pc) =	sbr.ind lr, $3  }
0x3a: {  	_ = 	snop  }
0x3b: {  	_ = 	snop  }
0x3c: {  	p2 =	seq.s32 s10, $0x1;
	s10 =	sld [smem:$0x3FBA]  }
0x3d: {  	_ =	shalt  }
0x3e: {  	_ =	shalt  }
0x3f: {  	_ =	shalt  }
0x40: {  	_ =	shalt  }
0x41: {  	_ =	shalt  }
0x42: {  	_ =	shalt  }
0x43: {  	_ =	shalt  }
0x44: {  	_ =	shalt  }
0x45: {  	_ =	shalt  }
0x46: {  	_ =	shalt  }
0x47: {  	_ =	shalt  }
0x48: {  	_ =	shalt  }
0x49: {  	_ =	shalt  }
0x4a: {  	_ =	shalt  }
0x4b: {  	_ =	shalt  }
0x4c: {  	_ =	shalt  }
0x4d: {  	_ =	shalt  }
0x4e: {  	_ =	shalt  }
0x4f: {  	_ =	shalt  }
0x50: {  	_ =	shalt  }
0x51: {  	_ =	shalt  }
0x52: {  	_ =	shalt  }
0x53: {  	_ =	shalt  }
0x54: {  	_ =	shalt  }
0x55: {  	_ =	shalt  }
0x56: {  	_ =	shalt  }
0x57: {  	_ =	shalt  }
0x58: {  	_ =	shalt  }
0x59: {  	_ =	shalt  }
0x5a: {  	_ =	shalt  }
0x5b: {  	_ =	shalt  }
0x5c: {  	_ =	shalt  }
0x5d: {  	_ =	shalt  }
0x5e: {  	_ =	shalt  }
0x5f: {  	_ =	shalt  }
0x60: {  	_ =	shalt  }
0x61: {  	_ =	shalt  }
0x62: {  	_ =	shalt  }
0x63: {  	_ =	shalt  }
0x64: {  	_ =	shalt  }
0x65: {  	_ =	shalt  }
0x66: {  	_ =	shalt  }
0x67: {  	_ =	shalt  }
0x68: {  	_ =	shalt  }
0x69: {  	_ =	shalt  }
0x6a: {  	_ =	shalt  }
0x6b: {  	_ =	shalt  }
0x6c: {  	_ =	shalt  }
0x6d: {  	_ =	shalt  }
0x6e: {  	_ =	shalt  }
0x6f: {  	_ =	shalt  }
0x70: {  	_ =	shalt  }
0x71: {  	_ =	shalt  }
0x72: {  	_ =	shalt  }
0x73: {  	_ =	shalt  }
0x74: {  	_ =	shalt  }
0x75: {  	_ =	shalt  }
0x76: {  	_ =	shalt  }
0x77: {  	_ =	shalt  }
0x78: {  	_ =	shalt  }
0x79: {  	_ =	shalt  }
0x7a: {  	_ =	shalt  }
0x7b: {  	_ =	shalt  }
0x7c: {  	_ =	shalt  }
0x7d: {  	_ =	shalt  }
0x7e: {  	_ =	shalt  }
0x7f: {  	_ =	shalt  }
0x80: {  	_ =	shalt  }
0x81: {  	_ =	shalt  }
0x82: {  	_ =	shalt  }
0x83: {  	_ =	shalt  }
0x84: {  	_ =	shalt  }
0x85: {  	_ =	shalt  }
0x86: {  	_ =	shalt  }
0x87: {  	_ =	shalt  }
.Lfunc_end0:
.L_simem_size_0:
called_computation_lowered:
.L_overlay_start_0:
0x88: {  	s2 =	sld [smem:$0x3FD9]  }
0x89: {  	s3 =	sld [smem:$0x3FFE];
	_ =	sdelay $0x1  }
0x8a: {  	s1 =	srdreg.scid  }
0x8b: {  	s0 =	sand.u32 $0x1, s1  }
0x8c: {  	s17 =	sshll.u32 s0, $0xA;
	s2 =	sadd.s32 s3, s2  }
0x8d: {  	s2 =	sadd.s32 s2, s17  }
0x8e: {  	[smem:$0x3FC6] =	sst s2  }
0x8f: {  	_ = 	snop  }
0x90: {  	s2 =	sld [smem:$0x3FC9]  }
0x91: {  	s18 =	sld [smem:$0x3FD0];
	(tm) =	ssettm $0x1  }
0x92: {  	s4 =	sld [smem:$0x3FFB];
	_ =	sdelay $0x3  }
0x93: {  	_ =	strace s4  }
0x94: {  	s4 =	sld [smem:$0x3FFC];
	_ =	sdelay $0x3  }
0x95: {  	_ =	strace s4  }
0x96: {  	s4 =	sld [smem:$0x3FFD];
	_ =	sdelay $0x3  }
0x97: {  	_ =	strace s4  }
0x98: {  	_ =	strace $0x8FFFFFFF  }
0x99: {  	s19 =	sld [smem:$0x3FDB];
	_ =	sdelay $0x1  }
0x9a: {  	s5 =	simm.s32 $_scs_section_size  }
0x9b: {  	s6 =	simm.s32 $_size__tile_overlayer_lowered;
	s7 =	simm.s32 $_tile_overlayer_lowered  }
0x9c: {  	s22 =	simm.s32 $0x1BFF;
	s21 =	sshll.u32 s7, $0x1;
	s4 =	sadd.s32 s5, s19  }
0x9d: {  	s8 =	simm.s32 $0x0;
	s20 =	sshll.u32 s6, $0x1;
	s6 =	sadd.s32 s21, s4  }
0x9e: {  	[timem:s8], [sflag:s22] =	dma.local [hbm:s6], s20  }
0x9f: {  	_ =	swait.ge [sflag:s22], s20  }
0xa0: {  	s5 =	ssub.s32 $0x0, s20;
	[sflag:s22] =	ssyncset.done $0x0  }
0xa1: {  	[sflag:s22] =	ssyncadd.s32 s5;
	_ =	sdelay $0x1  }
0xa2: {  	s23 =	simm.s32 $0x1B8B  }
0xa3: {  	_ =	swait.ge [sflag:s23], $0x1  }
0xa4: {  	[sflag:s23] =	ssyncset.done $0x0  }
0xa5: {  	s25 =	simm.s32 $0x1B8E;
	s24 =	sld [smem:$0x3FFE];
	[sflag:s23] =	ssyncadd.s32 $0xFFFFFFFF  }
0xa6: {  	s26 =	simm.s32 $execute0_lowered;
	[smem:$0x3FD2] =	sst s25  }
0xa7: {  	s6 =	sshll.u32 s26, $0x1;
	_ =	strace $0x80000046;
	[dreg:$0x1] =	wrdreg $0xFFFFFFFF  }
0xa8: {  	s28 =	simm.s32 $_size_execute0_lowered;
	s4 =	sadd.s32 s4, s6;
	[dreg:$0x0] =	wrdreg $0x0  }
0xa9: {  	s6 =	sshll.u32 s28, $0x1;
	[dreg:$0x2] =	wrdreg s4  }
0xaa: {  	[dreg:$0x3] =	wrdreg s6  }
0xab: {  	[dreg:$0x4] =	wrdreg $0xC0  }
0xac: {  	_ =	task [dreg:s8], $0x5FFFF  }
0xad: {  	[dreg:$0x1] =	wrdreg $0xFFFFFFFF  }
0xae: {  	[dreg:$0x0] =	wrdreg $0x60  }
0xaf: {  	[dreg:$0x2] =	wrdreg s2  }
0xb0: {  	[dreg:$0x3] =	wrdreg s24  }
0xb1: {  	[dreg:$0x4] =	wrdreg s18  }
0xb2: {  	[dreg:$0x5] =	wrdreg $0x82000  }
0xb3: {  	[dreg:$0x6] =	wrdreg $0x9  }
0xb4: {  	_ =	task.clear_ibuf [dreg:s8], $0x7FFFF;
	_ =	strace $0x90000046  }
0xb5: {  	s29 =	simm.s32 $0x9;
	_ =	strace $0x80000048  }
0xb6: {  	_ =	swait.ge [sflag:s29], $0x1  }
0xb7: {  	[sflag:s29] =	ssyncadd.s32 $0xFFFFFFFF  }
0xb8: {  	_ =	strace $0x90000048  }
0xb9: {  	_ =	sfence  }
0xba: {  	s30 =	sld [smem:$0x0];
	_ =	sdelay $0x2  }
0xbb: {  	s31 =	sshll.u32 s1, $0xD;
	s1 =	sshrl.u32 s1, $0x2  }
0xbc: {  	s3 =	sand.u32 $0x4000, s31;
	s1 =	sadd.s32 s1, s30  }
0xbd: {  	s0 =	sor.u32 s3, s0;
	s1 =	sshll.u32 s1, $0x11  }
0xbe: {  	s0 =	sor.u32 s1, s0  }
0xbf: {  	s0 =	sadd.s32 $0x8F2B, s0  }
0xc0: {  	[sflag:s0] =	ssyncadd.remote.s32 $0x1  }
0xc1: {  	_ =	sfence.sel $0xFFFF  }
0xc2: {  	[dreg:$0x0] =	wrdreg $0xFFFFFFFF;
	(pc) =	sbr.abs _section_cstart, $3  }
0xc3: {  	[dreg:$0x1] =	wrdreg $0xFFFFFFFF  }
0xc4: {  	_ =	task.clear_ibuf [dreg:s8], $0x2FFFF;
	_ =	strace $0x9FFFFFFF  }
0xc5: {  	(tm) =	ssettm $0x7FFFFFFF  }
tec
execute0_lowered:
.L_overlay_start_1:
0x0: {  	(tag) =	ssettag $0x1  }
0x1: {  	s10 =	rddreg [dreg:$0x0]  }
0x2: {  	s5 =	rddreg [dreg:$0x1]  }
0x3: {  	s20 =	rddreg [dreg:$0x2]  }
0x4: {  	s1 =	rddreg [dreg:$0x3]  }
0x5: {  	s6 =	stileid.u32;
	s0 =	rddreg [dreg:$0x4]  }
0x6: {  	s2 =	simm.s32 $0x0;
	s7 =	srdreg.scid;
	s3 =	smul.u32 $0xF80, s6  }
0x7: {  	[smem:$0x7FF] =	sst s2;
	s25 =	sand.u32 $0x1, s7;
	s11 =	sshll.u32 s6, $0xA  }
0x8: {  	s8 =	sshll.u32 s6, $0x6;
	p0 =	sne.s32 s6, $0x0;
	_ =	strace $0x80000047  }
0x9: {  	s12 =	sshll.u32 s25, $0x9;
	s9 =	simm.s32 @!p0 $0x3;
	s4 =	sshrl.u32 s3, $0x3  }
0xa: {  	s31 =	sadd.s32 s3, s1;
	s4 =	sadd.s32 s4, s5;
	s5 =	sadd.s32 $0x2300, s5  }
0xb: {  	s3 =	sadd.s32 $0x400, s4;
	s4 =	sor.u32 $0x1C01, s8;
	s8 =	sadd.s32 $0xF800, s1  }
0xc: {  	s6 =	sshrl.u32 s31, $0x3;
	s7 =	sshrl.u32 @!p0 s8, $0x3;
	s8 =	simm.s32 @!p0 $0x1C03  }
0xd: {  	[spmem:s6], [sflag:s4] =	dma.local [hbm:s3], $0x1F0  }
0xe: {  	[spmem:s7], [sflag:s8] =	dma.local @!p0 [hbm:s5], $0x40  }
0xf: {  	s21 =	sor.u32 s12, s11;
	_ =	swait.ge @!p0 [sflag:s9], $0x40  }
0x10: {  	s11 =	sshrl.u32 s21, $0x3;
	[sflag:s9] =	ssyncset.done @!p0 $0x0  }
0x11: {  	s10 =	sadd.s32 s10, s11;
	s11 =	simm.s32 $0x3;
	[sflag:s9] =	ssyncadd.s32 @!p0 $0xFFFFFFC0  }
0x12: {  	[tilespmem:s2], [sflag:$0x3] =	stream.linear.gather [hbm4b:s10+s2], $0x200, $0x38;
	[tilespmem:$0x91A0] =	vst v63  }
0x13: {  	_ =	swait.ge [sflag:s11], $0x200  }
0x14: {  	[sflag:s11] =	ssyncset.done $0x0  }
0x15: {  	s12 =	simm.s32 $0x1;
	[sflag:s11] =	ssyncadd.s32 $0xFFFFFE00  }
0x16: {  	_ =	swait.ge [sflag:s12], $0x1F0  }
0x17: {  	[sflag:s12] =	ssyncset.done $0x0  }
0x18: {  	[sflag:s12] =	ssyncadd.s32 $0xFFFFFE10  }
0x19: {  	s13 =	simm.s32 $0x80;
	s14 =	simm.s32 $0x200;
	[bflag:$0x0] =	sbarrier.arrive $0xFFFF  }
0x1a: {  	[tilespmem:s14], [sflag:$0x1] =	stream.indirect.gather [spmem:s1], $0x40, s2, s13, $0xb8;
	[tilespmem:$0x91A0] =	vst v63  }
0x1b: {  	s15 =	simm.s32 $0x2200  }
0x1c: {  	[tilespmem:s15], [sflag:$0x1] =	stream.indirect.gather [spmem:s1], $0x40, s13, s13, $0xb8;
	[tilespmem:$0x91A0] =	vst v63  }
0x1d: {  	s16 =	simm.s32 $0x100;
	s17 =	simm.s32 $0x4200  }
0x1e: {  	[tilespmem:s17], [sflag:$0x1] =	stream.indirect.gather [spmem:s1], $0x40, s16, s13, $0xb8;
	[tilespmem:$0x91A0] =	vst v63  }
0x1f: {  	s18 =	simm.s32 $0x180;
	s19 =	simm.s32 $0x6200  }
0x20: {  	[tilespmem:s19], [sflag:$0x1] =	stream.indirect.gather [spmem:s1], $0x40, s18, s13, $0xb8;
	[tilespmem:$0x91A0] =	vst v63  }
0x21: {  	_ =	swait.ge [sflag:s12], $0x2000  }
0x22: {  	s21 =	sshll.u32 s21, $0x3;
	[sflag:s12] =	ssyncset.done $0x0  }
0x23: {  	s20 =	sadd.s32 s20, s21;
	[sflag:s12] =	ssyncadd.s32 $0xFFFFE000  }
0x24: {  	[hbm4b:s20+s2] =	stream.linear.scatter [tilespmem:s14], [sflag:$0x2], $0x2000, $0x38;
	[tilespmem:$0x91A0] =	vst v63  }
0x25: {  	_ =	swait.ge [sflag:s12], $0x2000  }
0x26: {  	[sflag:s12] =	ssyncset.done $0x0  }
0x27: {  	s21 =	sadd.s32 $0x400, s20;
	[sflag:s12] =	ssyncadd.s32 $0xFFFFE000  }
0x28: {  	[hbm4b:s21+s2] =	stream.linear.scatter [tilespmem:s15], [sflag:$0x2], $0x2000, $0x38;
	[tilespmem:$0x91A0] =	vst v63  }
0x29: {  	_ =	swait.ge [sflag:s12], $0x2000  }
0x2a: {  	[sflag:s12] =	ssyncset.done $0x0  }
0x2b: {  	s22 =	sadd.s32 $0x800, s20;
	[sflag:s12] =	ssyncadd.s32 $0xFFFFE000  }
0x2c: {  	[hbm4b:s22+s2] =	stream.linear.scatter [tilespmem:s17], [sflag:$0x2], $0x2000, $0x38;
	[tilespmem:$0x91A0] =	vst v63  }
0x2d: {  	_ =	swait.ge [sflag:s12], $0x2000  }
0x2e: {  	[sflag:s12] =	ssyncset.done $0x0  }
0x2f: {  	s23 =	simm.s32 $0x2;
	s24 =	sadd.s32 $0xC00, s20;
	[sflag:s12] =	ssyncadd.s32 $0xFFFFE000  }
0x30: {  	[hbm4b:s24+s2] =	stream.linear.scatter [tilespmem:s19], [sflag:$0x2], $0x2000, $0x38;
	[tilespmem:$0x91A0] =	vst v63  }
0x31: {  	s25 =	ssub.s32 $0x2, s25;
	_ =	swait.ge [sflag:s23], $0x2000  }
0x32: {  	s26 =	sshrl.u32 s25, $0x1;
	[sflag:s23] =	ssyncset.done $0x0  }
0x33: {  	s25 =	ssub.s32 s25, s26;
	[sflag:s23] =	ssyncadd.s32 $0xFFFFE000  }
0x34: {  	s25 =	smax.u32 s25, $0x1;
	_ =	swait.ge [sflag:s23], $0x2000  }
0x35: {  	s25 =	sadd.s32 $0xFFFFFFFF, s25;
	[sflag:s23] =	ssyncset.done $0x0  }
0x36: {  	p1 =	sne.s32 s25, $0x0;
	[sflag:s23] =	ssyncadd.s32 $0xFFFFE000  }
.Ltmp0:
0x37: {  	_ =	swait.ge [sflag:s23], $0x2000;
	(pc) =	sbr.rel @!p1 .LBB2_2-.Ltmp0, $4  }
0x38: {  	[sflag:s23] =	ssyncset.done $0x0  }
0x39: {  	[sflag:s23] =	ssyncadd.s32 $0xFFFFE000  }
0x3a: {  	_ =	swait.ge [sflag:s23], $0x2000  }
0x3b: {  	[sflag:s23] =	ssyncset.done $0x0  }
.LBB2_1:
0x3c: {  	[sflag:s23] =	ssyncadd.s32 $0xFFFFE000  }
0x3d: {  	[spmem:s6], [sflag:s4] =	dma.local [hbm:s3], $0x1F0  }
0x3e: {  	[spmem:s7], [sflag:s8] =	dma.local @!p0 [hbm:s5], $0x40  }
0x3f: {  	s25 =	sadd.s32 $0xFFFFFFFF, s25;
	_ =	swait.ge @!p0 [sflag:s9], $0x40  }
0x40: {  	p1 =	sne.s32 s25, $0x0;
	[sflag:s9] =	ssyncset.done @!p0 $0x0  }
0x41: {  	[sflag:s9] =	ssyncadd.s32 @!p0 $0xFFFFFFC0  }
0x42: {  	[tilespmem:s2], [sflag:$0x3] =	stream.linear.gather [hbm4b:s10+s2], $0x200, $0x38;
	[tilespmem:$0x91A0] =	vst v63  }
0x43: {  	_ =	swait.ge [sflag:s11], $0x200  }
0x44: {  	[sflag:s11] =	ssyncset.done $0x0  }
0x45: {  	[sflag:s11] =	ssyncadd.s32 $0xFFFFFE00  }
0x46: {  	_ =	swait.ge [sflag:s12], $0x1F0  }
0x47: {  	[sflag:s12] =	ssyncset.done $0x0  }
0x48: {  	[sflag:s12] =	ssyncadd.s32 $0xFFFFFE10  }
0x49: {  	[bflag:$0x0] =	sbarrier.arrive $0xFFFF  }
0x4a: {  	[tilespmem:s14], [sflag:$0x1] =	stream.indirect.gather [spmem:s1], $0x40, s2, s13, $0xb8;
	[tilespmem:$0x91A0] =	vst v63  }
0x4b: {  	_ = 	snop  }
0x4c: {  	[tilespmem:s15], [sflag:$0x1] =	stream.indirect.gather [spmem:s1], $0x40, s13, s13, $0xb8;
	[tilespmem:$0x91A0] =	vst v63  }
0x4d: {  	_ = 	snop  }
0x4e: {  	[tilespmem:s17], [sflag:$0x1] =	stream.indirect.gather [spmem:s1], $0x40, s16, s13, $0xb8;
	[tilespmem:$0x91A0] =	vst v63  }
0x4f: {  	_ = 	snop  }
0x50: {  	[tilespmem:s19], [sflag:$0x1] =	stream.indirect.gather [spmem:s1], $0x40, s18, s13, $0xb8;
	[tilespmem:$0x91A0] =	vst v63  }
0x51: {  	_ =	swait.ge [sflag:s12], $0x2000  }
0x52: {  	[sflag:s12] =	ssyncset.done $0x0  }
0x53: {  	[sflag:s12] =	ssyncadd.s32 $0xFFFFE000  }
0x54: {  	[hbm4b:s20+s2] =	stream.linear.scatter [tilespmem:s14], [sflag:$0x2], $0x2000, $0x38;
	[tilespmem:$0x91A0] =	vst v63  }
0x55: {  	_ =	swait.ge [sflag:s12], $0x2000  }
0x56: {  	[sflag:s12] =	ssyncset.done $0x0  }
0x57: {  	[sflag:s12] =	ssyncadd.s32 $0xFFFFE000  }
0x58: {  	[hbm4b:s21+s2] =	stream.linear.scatter [tilespmem:s15], [sflag:$0x2], $0x2000, $0x38;
	[tilespmem:$0x91A0] =	vst v63  }
0x59: {  	_ =	swait.ge [sflag:s12], $0x2000  }
0x5a: {  	[sflag:s12] =	ssyncset.done $0x0  }
0x5b: {  	[sflag:s12] =	ssyncadd.s32 $0xFFFFE000  }
0x5c: {  	[hbm4b:s22+s2] =	stream.linear.scatter [tilespmem:s17], [sflag:$0x2], $0x2000, $0x38;
	[tilespmem:$0x91A0] =	vst v63  }
0x5d: {  	_ =	swait.ge [sflag:s12], $0x2000  }
0x5e: {  	[sflag:s12] =	ssyncset.done $0x0  }
0x5f: {  	[sflag:s12] =	ssyncadd.s32 $0xFFFFE000  }
0x60: {  	[hbm4b:s24+s2] =	stream.linear.scatter [tilespmem:s19], [sflag:$0x2], $0x2000, $0x38;
	[tilespmem:$0x91A0] =	vst v63  }
0x61: {  	_ =	swait.ge [sflag:s23], $0x2000  }
0x62: {  	[sflag:s23] =	ssyncset.done $0x0  }
0x63: {  	[sflag:s23] =	ssyncadd.s32 $0xFFFFE000  }
0x64: {  	_ =	swait.ge [sflag:s23], $0x2000  }
0x65: {  	[sflag:s23] =	ssyncset.done $0x0  }
0x66: {  	[sflag:s23] =	ssyncadd.s32 $0xFFFFE000  }
.Ltmp1:
0x67: {  	_ =	swait.ge [sflag:s23], $0x2000;
	(pc) =	sbr.rel @p1 .LBB2_1-.Ltmp1, $4  }
0x68: {  	[sflag:s23] =	ssyncset.done $0x0  }
0x69: {  	[sflag:s23] =	ssyncadd.s32 $0xFFFFE000  }
0x6a: {  	_ =	swait.ge [sflag:s23], $0x2000  }
0x6b: {  	[sflag:s23] =	ssyncset.done $0x0  }
.LBB2_2:
0x6c: {  	[sflag:s23] =	ssyncadd.s32 $0xFFFFE000  }
0x6d: {  	_ =	sfence.sel $0x180000  }
0x6e: {  	[bflag:$0x0] =	sbarrier.arrive $0xFFFF  }
0x6f: {  	_ =	strace $0x90000047  }
0x70: {  	s0 =	sadd.s32 @!p0 $0x100000, s0;
	[bflag:$0x2] =	sbarrier.arrive $0xFFFF  }
0x71: {  	[sflag:s0] =	ssyncadd.tile.s32 @!p0 $0x1;
	_ =	shalt  }
.Lfunc_end2:
_tile_overlayer_lowered:
.L_overlay_start_2:
0x72: {  	(tag) =	ssettag $0x2  }
0x73: {  	s0 =	rddreg [dreg:$0x0];
	s2 =	stileid.u32  }
0x74: {  	s1 =	rddreg [dreg:$0x1];
	p0 =	sne.s32 s2, $0x0  }
0x75: {  	s3 =	rddreg [dreg:$0x2];
	[bflag:$0x3] =	sbarrier.arrive $0xFFFF;
	s2 =	simm.s32 @!p0 $0x1C03  }
0x76: {  	[timem:s3], [sflag:s2] =	dma.local @!p0 [hbm:s0], s1  }
0x77: {  	s0 =	simm.s32 @!p0 $0x3  }
0x78: {  	_ =	swait.ge @!p0 [sflag:s0], s1  }
0x79: {  	s1 =	ssub.s32 @!p0 $0x0, s1;
	[sflag:s0] =	ssyncset.done @!p0 $0x0  }
0x7a: {  	[sflag:s0] =	ssyncadd.s32 @!p0 s1  }
0x7b: {  	[bflag:$0x3] =	sbarrier.arrive $0xFFFF  }
0x7c: {  	_ =	shalt  }

</sc_bundles>
